<compile_context>
chip_gen: v7x
topology: tpu7x:2x2x1
jax: 0.10.2.dev20260603
libtpu: 0.0.44.dev20260713+nightly
codegen_flags: <defaults>
</compile_context>

<pallas_src>
import functools

import jax
import jax.numpy as jnp
from jax import lax
from jax.experimental import pallas as pl
from jax.experimental.pallas import tpu as pltpu
from jax.experimental.pallas import tpu_sc as plsc

NUM_EMBEDDINGS = 1024
EMBEDDING_DIM = 64
COMMITMENT_COST = 0.25
CONTRIB_RATE = 0.05

ROWS = 9216
BLK = 3072
GRID = ROWS // BLK
_LOSS_SCALE = (1.0 + COMMITMENT_COST) / float(ROWS * EMBEDDING_DIM)

_SC_INFO = plsc.get_sparse_core_info()
_NC = _SC_INFO.num_cores
_NS = _SC_INFO.num_subcores
_NW = _NC * _NS
_BPW = ROWS // _NW


def _vq_tc_kernel(x_ref, w_ref, idx_ref, loss_ref, wpad_ref,
                  wsq_ref, w2_ref, ids_ref):
    i = pl.program_id(0)
    x = x_ref[...]
    w = w_ref[...]

    @pl.when(i == 0)
    def _():
        wsq_ref[...] = jnp.sum(w * w, axis=1)[None, :]
        w2_ref[...] = w * -2.0
        ids_ref[...] = jax.lax.broadcasted_iota(
            jnp.int32, (1, NUM_EMBEDDINGS), 1).astype(jnp.float32)
        wpad_ref[...] = jnp.concatenate((w, w), axis=1)

    xsq = jnp.sum(x * x, axis=1, keepdims=True)
    xw2 = jax.lax.dot_general(
        x, w2_ref[...], (((1,), (1,)), ((), ())),
        preferred_element_type=jnp.float32)
    dist = (xsq + wsq_ref[...]) + xw2

    dmin = jnp.min(dist, axis=1, keepdims=True)
    m = dist == dmin
    idxf = jnp.min(jnp.where(m, ids_ref[...], float(NUM_EMBEDDINGS)),
                   axis=1, keepdims=True)
    idx_ref[...] = idxf.astype(jnp.int32)

    part = jnp.sum(dmin, axis=(0, 1), keepdims=True)
    prev = jnp.where(i == 0, 0.0, loss_ref[...])
    acc = prev + part
    loss_ref[...] = jnp.where(i == GRID - 1, acc * _LOSS_SCALE, acc)


def _sc_gather_blend(x_hbm, w_hbm, idx_hbm, out_hbm,
                     idx_v, x_v, rows_v, out_v, sem):
    wid = lax.axis_index("s") * _NC + lax.axis_index("c")
    base = wid * _BPW
    pltpu.sync_copy(idx_hbm.at[pl.ds(base, _BPW)], idx_v)
    pltpu.sync_copy(x_hbm.at[pl.ds(base, _BPW), :], x_v)
    pltpu.async_copy(w_hbm.at[idx_v], rows_v, sem).wait()

    def body(r, _):
        for c in range(EMBEDDING_DIM // 16):
            sl = pl.ds(c * 16, 16)
            xv = x_v[r, sl]
            qv = rows_v[r, sl]
            out_v[r, sl] = (xv * (1.0 - CONTRIB_RATE)
                            + (qv - xv) * CONTRIB_RATE)
        return 0

    lax.fori_loop(0, _BPW, body, 0)
    pltpu.sync_copy(out_v, out_hbm.at[pl.ds(base, _BPW), :])


@functools.partial(jax.jit, static_argnames=())
def kernel(inputs, W):
    input_shape = inputs.shape
    flat = inputs.reshape(ROWS, EMBEDDING_DIM)
    idx, loss, wpad = pl.pallas_call(
        _vq_tc_kernel,
        grid=(GRID,),
        in_specs=[
            pl.BlockSpec((BLK, EMBEDDING_DIM), lambda i: (i, 0)),
            pl.BlockSpec((NUM_EMBEDDINGS, EMBEDDING_DIM), lambda i: (0, 0)),
        ],
        out_specs=[
            pl.BlockSpec((BLK, 1), lambda i: (i, 0)),
            pl.BlockSpec((1, 1), lambda i: (0, 0)),
            pl.BlockSpec((NUM_EMBEDDINGS, 128), lambda i: (0, 0)),
        ],
        out_shape=[
            jax.ShapeDtypeStruct((ROWS, 1), jnp.int32),
            jax.ShapeDtypeStruct((1, 1), jnp.float32),
            jax.ShapeDtypeStruct((NUM_EMBEDDINGS, 128), jnp.float32),
        ],
        scratch_shapes=[
            pltpu.VMEM((1, NUM_EMBEDDINGS), jnp.float32),
            pltpu.VMEM((NUM_EMBEDDINGS, EMBEDDING_DIM), jnp.float32),
            pltpu.VMEM((1, NUM_EMBEDDINGS), jnp.float32),
        ],
        compiler_params=pltpu.CompilerParams(
            dimension_semantics=("arbitrary",)),
    )(flat, W)

    sc = pl.kernel(
        _sc_gather_blend,
        out_type=jax.ShapeDtypeStruct((ROWS, EMBEDDING_DIM), jnp.float32),
        mesh=plsc.VectorSubcoreMesh(core_axis_name="c", subcore_axis_name="s"),
        scratch_types=[
            pltpu.VMEM((_BPW,), jnp.int32),
            pltpu.VMEM((_BPW, EMBEDDING_DIM), jnp.float32),
            pltpu.VMEM((_BPW, 128), jnp.float32),
            pltpu.VMEM((_BPW, EMBEDDING_DIM), jnp.float32),
            pltpu.SemaphoreType.DMA,
        ],
    )
    out = sc(flat, wpad, idx.reshape(ROWS))
    return out.reshape(input_shape), idx, loss[0, 0]

# --- scband reference (transcript-rebuilt; emitter-appended) ---
"""Pipeline reference for scband-vector-quantizer-78632261255735 (READ-ONLY COPY).

The authoritative reference and input builder live on the scoring server;
editing this copy changes nothing except your own understanding.
"""

import jax, jax.numpy as jnp
import numpy as np

NUM_EMBEDDINGS = 1024
EMBEDDING_DIM = 64
COMMITMENT_COST = 0.25
CONTRIB_RATE = 0.05


def setup_inputs(seed: int = 0) -> dict:
    key = jax.random.key(seed)
    k_in, k_w = jax.random.split(key)
    inputs = jax.random.normal(k_in, (16, 576, 64), dtype=jnp.float32)
    bound = 1.0 / NUM_EMBEDDINGS
    W = jax.random.uniform(k_w, (NUM_EMBEDDINGS, EMBEDDING_DIM), dtype=jnp.float32,
                           minval=-bound, maxval=bound)
    return {"inputs": inputs, "W": W}


def reference(inputs, W):
    input_shape = inputs.shape
    flat_input = inputs.reshape(-1, EMBEDDING_DIM)
    distances = (jnp.sum(flat_input ** 2, axis=1, keepdims=True)
                 + jnp.sum(W ** 2, axis=1)
                 - 2.0 * jnp.matmul(flat_input, W.T))
    encoding_indices = jnp.argmin(distances, axis=1)[:, None]
    encodings = jax.nn.one_hot(encoding_indices[:, 0], NUM_EMBEDDINGS, dtype=jnp.float32)
    quantized = jnp.matmul(encodings, W).reshape(input_shape)
    e_latent_loss = jnp.mean((jax.lax.stop_gradient(quantized) - inputs) ** 2)
    q_latent_loss = jnp.mean((quantized - jax.lax.stop_gradient(inputs)) ** 2)
    loss = q_latent_loss + COMMITMENT_COST * e_latent_loss
    quantized_out = (inputs * (1.0 - CONTRIB_RATE)
                     + jax.lax.stop_gradient(quantized - inputs) * CONTRIB_RATE)
    return (quantized_out.reshape(input_shape), encoding_indices, loss)

if __name__ == "__main__":
    import jax
    _d = setup_inputs()
    print(jax.jit(kernel)(*tuple(_d.values())))

</pallas_src>

<mosaic_0001>
#map = affine_map<(d0, d1) -> (0, 0)>
#map1 = affine_map<(d0, d1) -> (0)>
module attributes {stable_mosaic.version = 14 : i64} {
  func.func @_sc_gather_blend(%arg0: i32, %arg1: i32, %arg2: memref<9216x64xf32, #tpu.memory_space<hbm>>, %arg3: memref<1024x128xf32, #tpu.memory_space<hbm>>, %arg4: memref<9216xi32, #tpu.memory_space<hbm>>, %arg5: memref<9216x64xf32, #tpu.memory_space<hbm>>, %arg6: memref<288xi32, #tpu.memory_space<vmem>>, %arg7: memref<288x64xf32, #tpu.memory_space<vmem>>, %arg8: memref<288x128xf32, #tpu.memory_space<vmem>>, %arg9: memref<288x64xf32, #tpu.memory_space<vmem>>, %arg10: memref<!tpu.dma_semaphore, #tpu.memory_space<semaphore_mem>>) attributes {dimension_semantics = [#tpu.dimension_semantics<core_parallel>, #tpu.dimension_semantics<subcore_parallel>], iteration_bounds = array<i64: 2, 16>, scalar_prefetch = 0 : i64, scratch_operands = 5 : i64, tpu.core_type = #tpu.core_type<sc_vector_subcore>, window_params = [{transform_indices = #map}, {transform_indices = #map}, {transform_indices = #map1}, {transform_indices = #map}]} {
    %mul3A = arith.constant 2 : i32
    %mul3A_0 = arith.muli %arg1, %mul3A : i32
    %add3A = arith.addi %mul3A_0, %arg0 : i32
    %mul3A_1 = arith.constant 288 : i32
    %mul3A_2 = arith.muli %add3A, %mul3A_1 : i32
    "tpu.region"() ({
      %run_scoped3A = tpu.sem_alloc : memref<!tpu.dma_semaphore, #tpu.memory_space<semaphore_mem>>
      %dma_start3A_13 = tpu.memref_slice %arg4[%mul3A_2] : memref<9216xi32, #tpu.memory_space<hbm>> -> memref<288xi32, #tpu.memory_space<hbm>>
      %dma_start3A_14 = tpu.memref_slice %arg4[%mul3A_2] : memref<9216xi32, #tpu.memory_space<hbm>> -> memref<288xi32, #tpu.memory_space<hbm>>
      tpu.enqueue_dma source(%dma_start3A_14 : memref<288xi32, #tpu.memory_space<hbm>>) target(%arg6 : memref<288xi32, #tpu.memory_space<vmem>>) target_semaphore(%run_scoped3A : memref<!tpu.dma_semaphore, #tpu.memory_space<semaphore_mem>>)
      %dma_wait3A_15 = tpu.memref_slice %arg4[%mul3A_2] : memref<9216xi32, #tpu.memory_space<hbm>> -> memref<288xi32, #tpu.memory_space<hbm>>
      %dma_wait3A_16 = tpu.memref_slice %arg4[%mul3A_2] : memref<9216xi32, #tpu.memory_space<hbm>> -> memref<288xi32, #tpu.memory_space<hbm>>
      tpu.wait_dma2 semaphore(%run_scoped3A : memref<!tpu.dma_semaphore, #tpu.memory_space<semaphore_mem>>) src(%dma_wait3A_16 : memref<288xi32, #tpu.memory_space<hbm>>) dst(%arg6 : memref<288xi32, #tpu.memory_space<vmem>>)
      tpu.yield
    }) : () -> ()
    "tpu.region"() ({
      %run_scoped3A = tpu.sem_alloc : memref<!tpu.dma_semaphore, #tpu.memory_space<semaphore_mem>>
      %dma_start3A_13 = arith.constant 0 : i32
      %dma_start3A_14 = tpu.memref_slice %arg2[%mul3A_2, %dma_start3A_13] : memref<9216x64xf32, #tpu.memory_space<hbm>> -> memref<288x64xf32, #tpu.memory_space<hbm>>
      %dma_start3A_15 = arith.constant 0 : i32
      %dma_start3A_16 = tpu.memref_slice %arg2[%mul3A_2, %dma_start3A_15] : memref<9216x64xf32, #tpu.memory_space<hbm>> -> memref<288x64xf32, #tpu.memory_space<hbm>>
      tpu.enqueue_dma source(%dma_start3A_16 : memref<288x64xf32, #tpu.memory_space<hbm>>) target(%arg7 : memref<288x64xf32, #tpu.memory_space<vmem>>) target_semaphore(%run_scoped3A : memref<!tpu.dma_semaphore, #tpu.memory_space<semaphore_mem>>)
      %dma_wait3A_17 = arith.constant 0 : i32
      %dma_wait3A_18 = tpu.memref_slice %arg2[%mul3A_2, %dma_wait3A_17] : memref<9216x64xf32, #tpu.memory_space<hbm>> -> memref<288x64xf32, #tpu.memory_space<hbm>>
      %dma_wait3A_19 = arith.constant 0 : i32
      %dma_wait3A_20 = tpu.memref_slice %arg2[%mul3A_2, %dma_wait3A_19] : memref<9216x64xf32, #tpu.memory_space<hbm>> -> memref<288x64xf32, #tpu.memory_space<hbm>>
      tpu.wait_dma2 semaphore(%run_scoped3A : memref<!tpu.dma_semaphore, #tpu.memory_space<semaphore_mem>>) src(%dma_wait3A_20 : memref<288x64xf32, #tpu.memory_space<hbm>>) dst(%arg7 : memref<288x64xf32, #tpu.memory_space<vmem>>)
      tpu.yield
    }) : () -> ()
    %dma_start3A = arith.constant 0 : i32
    %dma_start3A_3 = arith.constant 0 : i32
    %dma_start3A_4 = tpu.memref_slice %arg3[%dma_start3A, %dma_start3A_3] : memref<1024x128xf32, #tpu.memory_space<hbm>> -> memref<1024x128xf32, #tpu.memory_space<hbm>>
    tpu.enqueue_indirect_dma source(%dma_start3A_4 : memref<1024x128xf32, #tpu.memory_space<hbm>>) target(%arg8 : memref<288x128xf32, #tpu.memory_space<vmem>>) offsets(%arg6 : memref<288xi32, #tpu.memory_space<vmem>>) semaphore(%arg10 : memref<!tpu.dma_semaphore, #tpu.memory_space<semaphore_mem>>)
    %dma_wait3A = arith.constant 0 : i32
    %dma_wait3A_5 = arith.constant 0 : i32
    %dma_wait3A_6 = tpu.memref_slice %arg3[%dma_wait3A, %dma_wait3A_5] : memref<1024x128xf32, #tpu.memory_space<hbm>> -> memref<1024x128xf32, #tpu.memory_space<hbm>>
    tpu.wait_indirect_dma semaphore(%arg10 : memref<!tpu.dma_semaphore, #tpu.memory_space<semaphore_mem>>) src(%dma_wait3A_6 : memref<1024x128xf32, #tpu.memory_space<hbm>>) dst(%arg8 : memref<288x128xf32, #tpu.memory_space<vmem>>)
    %scan3A = arith.constant 0 : i32
    %scan3A_7 = arith.constant 0 : i32
    %scan3A_8 = arith.constant 288 : i32
    %scan3A_9 = arith.addi %scan3A_7, %scan3A_8 : i32
    %scan3A_10 = arith.constant 1 : i32
    %scan3A_11 = scf.for %scan3A_13 = %scan3A_7 to %scan3A_9 step %scan3A_10 iter_args(%scan3A_14 = %scan3A) -> (i32)  : i32 {
      %get3A = arith.index_cast %scan3A_13 : i32 to index
      %get3A_15 = arith.constant 0 : index
      %get3A_16 = tpu.vector_load %arg7[%get3A, %get3A_15] {strides = array<i32>} : memref<288x64xf32, #tpu.memory_space<vmem>>, vector<1x16xf32>,
      %get3A_17 = vector.shape_cast %get3A_16 : vector<1x16xf32> to vector<16xf32>
      %get3A_18 = arith.index_cast %scan3A_13 : i32 to index
      %get3A_19 = arith.constant 0 : index
      %get3A_20 = tpu.vector_load %arg8[%get3A_18, %get3A_19] {strides = array<i32>} : memref<288x128xf32, #tpu.memory_space<vmem>>, vector<1x16xf32>,
      %get3A_21 = vector.shape_cast %get3A_20 : vector<1x16xf32> to vector<16xf32>
      %mul3A_22 = arith.constant 0.949999988 : f32
      %mul3A_23 = vector.broadcast %mul3A_22 : f32 to vector<16xf32>
      %mul3A_24 = arith.mulf %get3A_17, %mul3A_23 : vector<16xf32>
      %sub3A = arith.subf %get3A_21, %get3A_17 : vector<16xf32>
      %mul3A_25 = arith.constant 5.000000e-02 : f32
      %mul3A_26 = vector.broadcast %mul3A_25 : f32 to vector<16xf32>
      %mul3A_27 = arith.mulf %sub3A, %mul3A_26 : vector<16xf32>
      %add3A_28 = arith.addf %mul3A_24, %mul3A_27 : vector<16xf32>
      %swap3A = arith.index_cast %scan3A_13 : i32 to index
      %swap3A_29 = arith.constant 0 : index
      %swap3A_30 = tpu.vector_load %arg9[%swap3A, %swap3A_29] {strides = array<i32>} : memref<288x64xf32, #tpu.memory_space<vmem>>, vector<1x16xf32>,
      %swap3A_31 = vector.shape_cast %swap3A_30 : vector<1x16xf32> to vector<16xf32>
      %swap3A_32 = vector.shape_cast %add3A_28 : vector<16xf32> to vector<1x16xf32>
      tpu.vector_store %arg9[%swap3A, %swap3A_29], %swap3A_32 {strides = array<i32>} : memref<288x64xf32, #tpu.memory_space<vmem>>, vector<1x16xf32>,
      %get3A_33 = arith.index_cast %scan3A_13 : i32 to index
      %get3A_34 = arith.constant 16 : index
      %get3A_35 = tpu.vector_load %arg7[%get3A_33, %get3A_34] {strides = array<i32>} : memref<288x64xf32, #tpu.memory_space<vmem>>, vector<1x16xf32>,
      %get3A_36 = vector.shape_cast %get3A_35 : vector<1x16xf32> to vector<16xf32>
      %get3A_37 = arith.index_cast %scan3A_13 : i32 to index
      %get3A_38 = arith.constant 16 : index
      %get3A_39 = tpu.vector_load %arg8[%get3A_37, %get3A_38] {strides = array<i32>} : memref<288x128xf32, #tpu.memory_space<vmem>>, vector<1x16xf32>,
      %get3A_40 = vector.shape_cast %get3A_39 : vector<1x16xf32> to vector<16xf32>
      %mul3A_41 = arith.constant 0.949999988 : f32
      %mul3A_42 = vector.broadcast %mul3A_41 : f32 to vector<16xf32>
      %mul3A_43 = arith.mulf %get3A_36, %mul3A_42 : vector<16xf32>
      %sub3A_44 = arith.subf %get3A_40, %get3A_36 : vector<16xf32>
      %mul3A_45 = arith.constant 5.000000e-02 : f32
      %mul3A_46 = vector.broadcast %mul3A_45 : f32 to vector<16xf32>
      %mul3A_47 = arith.mulf %sub3A_44, %mul3A_46 : vector<16xf32>
      %add3A_48 = arith.addf %mul3A_43, %mul3A_47 : vector<16xf32>
      %swap3A_49 = arith.index_cast %scan3A_13 : i32 to index
      %swap3A_50 = arith.constant 16 : index
      %swap3A_51 = tpu.vector_load %arg9[%swap3A_49, %swap3A_50] {strides = array<i32>} : memref<288x64xf32, #tpu.memory_space<vmem>>, vector<1x16xf32>,
      %swap3A_52 = vector.shape_cast %swap3A_51 : vector<1x16xf32> to vector<16xf32>
      %swap3A_53 = vector.shape_cast %add3A_48 : vector<16xf32> to vector<1x16xf32>
      tpu.vector_store %arg9[%swap3A_49, %swap3A_50], %swap3A_53 {strides = array<i32>} : memref<288x64xf32, #tpu.memory_space<vmem>>, vector<1x16xf32>,
      %get3A_54 = arith.index_cast %scan3A_13 : i32 to index
      %get3A_55 = arith.constant 32 : index
      %get3A_56 = tpu.vector_load %arg7[%get3A_54, %get3A_55] {strides = array<i32>} : memref<288x64xf32, #tpu.memory_space<vmem>>, vector<1x16xf32>,
      %get3A_57 = vector.shape_cast %get3A_56 : vector<1x16xf32> to vector<16xf32>
      %get3A_58 = arith.index_cast %scan3A_13 : i32 to index
      %get3A_59 = arith.constant 32 : index
      %get3A_60 = tpu.vector_load %arg8[%get3A_58, %get3A_59] {strides = array<i32>} : memref<288x128xf32, #tpu.memory_space<vmem>>, vector<1x16xf32>,
      %get3A_61 = vector.shape_cast %get3A_60 : vector<1x16xf32> to vector<16xf32>
      %mul3A_62 = arith.constant 0.949999988 : f32
      %mul3A_63 = vector.broadcast %mul3A_62 : f32 to vector<16xf32>
      %mul3A_64 = arith.mulf %get3A_57, %mul3A_63 : vector<16xf32>
      %sub3A_65 = arith.subf %get3A_61, %get3A_57 : vector<16xf32>
      %mul3A_66 = arith.constant 5.000000e-02 : f32
      %mul3A_67 = vector.broadcast %mul3A_66 : f32 to vector<16xf32>
      %mul3A_68 = arith.mulf %sub3A_65, %mul3A_67 : vector<16xf32>
      %add3A_69 = arith.addf %mul3A_64, %mul3A_68 : vector<16xf32>
      %swap3A_70 = arith.index_cast %scan3A_13 : i32 to index
      %swap3A_71 = arith.constant 32 : index
      %swap3A_72 = tpu.vector_load %arg9[%swap3A_70, %swap3A_71] {strides = array<i32>} : memref<288x64xf32, #tpu.memory_space<vmem>>, vector<1x16xf32>,
      %swap3A_73 = vector.shape_cast %swap3A_72 : vector<1x16xf32> to vector<16xf32>
      %swap3A_74 = vector.shape_cast %add3A_69 : vector<16xf32> to vector<1x16xf32>
      tpu.vector_store %arg9[%swap3A_70, %swap3A_71], %swap3A_74 {strides = array<i32>} : memref<288x64xf32, #tpu.memory_space<vmem>>, vector<1x16xf32>,
      %get3A_75 = arith.index_cast %scan3A_13 : i32 to index
      %get3A_76 = arith.constant 48 : index
      %get3A_77 = tpu.vector_load %arg7[%get3A_75, %get3A_76] {strides = array<i32>} : memref<288x64xf32, #tpu.memory_space<vmem>>, vector<1x16xf32>,
      %get3A_78 = vector.shape_cast %get3A_77 : vector<1x16xf32> to vector<16xf32>
      %get3A_79 = arith.index_cast %scan3A_13 : i32 to index
      %get3A_80 = arith.constant 48 : index
      %get3A_81 = tpu.vector_load %arg8[%get3A_79, %get3A_80] {strides = array<i32>} : memref<288x128xf32, #tpu.memory_space<vmem>>, vector<1x16xf32>,
      %get3A_82 = vector.shape_cast %get3A_81 : vector<1x16xf32> to vector<16xf32>
      %mul3A_83 = arith.constant 0.949999988 : f32
      %mul3A_84 = vector.broadcast %mul3A_83 : f32 to vector<16xf32>
      %mul3A_85 = arith.mulf %get3A_78, %mul3A_84 : vector<16xf32>
      %sub3A_86 = arith.subf %get3A_82, %get3A_78 : vector<16xf32>
      %mul3A_87 = arith.constant 5.000000e-02 : f32
      %mul3A_88 = vector.broadcast %mul3A_87 : f32 to vector<16xf32>
      %mul3A_89 = arith.mulf %sub3A_86, %mul3A_88 : vector<16xf32>
      %add3A_90 = arith.addf %mul3A_85, %mul3A_89 : vector<16xf32>
      %swap3A_91 = arith.index_cast %scan3A_13 : i32 to index
      %swap3A_92 = arith.constant 48 : index
      %swap3A_93 = tpu.vector_load %arg9[%swap3A_91, %swap3A_92] {strides = array<i32>} : memref<288x64xf32, #tpu.memory_space<vmem>>, vector<1x16xf32>,
      %swap3A_94 = vector.shape_cast %swap3A_93 : vector<1x16xf32> to vector<16xf32>
      %swap3A_95 = vector.shape_cast %add3A_90 : vector<16xf32> to vector<1x16xf32>
      tpu.vector_store %arg9[%swap3A_91, %swap3A_92], %swap3A_95 {strides = array<i32>} : memref<288x64xf32, #tpu.memory_space<vmem>>, vector<1x16xf32>,
      %scan3A_96 = arith.constant 0 : i32
      scf.yield %scan3A_96 : i32
    }
    %scan3A_12 = arith.constant 288 : i32
    "tpu.region"() ({
      %run_scoped3A = tpu.sem_alloc : memref<!tpu.dma_semaphore, #tpu.memory_space<semaphore_mem>>
      %dma_start3A_13 = arith.constant 0 : i32
      %dma_start3A_14 = tpu.memref_slice %arg5[%mul3A_2, %dma_start3A_13] : memref<9216x64xf32, #tpu.memory_space<hbm>> -> memref<288x64xf32, #tpu.memory_space<hbm>>
      %dma_start3A_15 = arith.constant 0 : i32
      %dma_start3A_16 = tpu.memref_slice %arg5[%mul3A_2, %dma_start3A_15] : memref<9216x64xf32, #tpu.memory_space<hbm>> -> memref<288x64xf32, #tpu.memory_space<hbm>>
      tpu.enqueue_dma source(%arg9 : memref<288x64xf32, #tpu.memory_space<vmem>>) target(%dma_start3A_16 : memref<288x64xf32, #tpu.memory_space<hbm>>) target_semaphore(%run_scoped3A : memref<!tpu.dma_semaphore, #tpu.memory_space<semaphore_mem>>)
      %dma_wait3A_17 = arith.constant 0 : i32
      %dma_wait3A_18 = tpu.memref_slice %arg5[%mul3A_2, %dma_wait3A_17] : memref<9216x64xf32, #tpu.memory_space<hbm>> -> memref<288x64xf32, #tpu.memory_space<hbm>>
      %dma_wait3A_19 = arith.constant 0 : i32
      %dma_wait3A_20 = tpu.memref_slice %arg5[%mul3A_2, %dma_wait3A_19] : memref<9216x64xf32, #tpu.memory_space<hbm>> -> memref<288x64xf32, #tpu.memory_space<hbm>>
      tpu.wait_dma2 semaphore(%run_scoped3A : memref<!tpu.dma_semaphore, #tpu.memory_space<semaphore_mem>>) src(%arg9 : memref<288x64xf32, #tpu.memory_space<vmem>>) dst(%dma_wait3A_20 : memref<288x64xf32, #tpu.memory_space<hbm>>)
      tpu.yield
    }) : () -> ()
    return
  }
}

module attributes {stable_mosaic.version = 14 : i64} {
  func.func @_vq_tc_kernel(%arg0: i32, %arg1: memref<3072x64xf32, #tpu.memory_space<vmem>>, %arg2: memref<1024x64xf32, #tpu.memory_space<vmem>>, %arg3: memref<3072x1xi32, #tpu.memory_space<vmem>>, %arg4: memref<1x1xf32, #tpu.memory_space<vmem>>, %arg5: memref<1024x128xf32, #tpu.memory_space<vmem>>, %arg6: memref<1x1024xf32, #tpu.memory_space<vmem>>, %arg7: memref<1024x64xf32, #tpu.memory_space<vmem>>, %arg8: memref<1x1024xf32, #tpu.memory_space<vmem>>) attributes {dimension_semantics = [#tpu.dimension_semantics<arbitrary>], iteration_bounds = array<i64: 3>, scalar_prefetch = 0 : i64, scratch_operands = 3 : i64, tpu.core_type = #tpu.core_type<tc>, window_params = [{transform_indices = @transform_0, window_bounds = array<i64: 3072, 64>}, {pipeline_mode = #tpu.pipeline_mode<synchronous>, transform_indices = @transform_1, window_bounds = array<i64: 1024, 64>}, {transform_indices = @transform_2, window_bounds = array<i64: 3072, 1>}, {pipeline_mode = #tpu.pipeline_mode<synchronous>, transform_indices = @transform_3, window_bounds = array<i64: 1, 1>}, {pipeline_mode = #tpu.pipeline_mode<synchronous>, transform_indices = @transform_4, window_bounds = array<i64: 1024, 128>}]} {
    %get3A = arith.constant 0 : index
    %get3A_0 = arith.constant 0 : index
    %get3A_1 = vector.load %arg1[%get3A, %get3A_0] : memref<3072x64xf32, #tpu.memory_space<vmem>>, vector<3072x64xf32>
    %get3A_2 = arith.constant 0 : index
    %get3A_3 = arith.constant 0 : index
    %get3A_4 = vector.load %arg2[%get3A_2, %get3A_3] : memref<1024x64xf32, #tpu.memory_space<vmem>>, vector<1024x64xf32>
    %eq3A = arith.constant 0 : i32
    %eq3A_5 = arith.cmpi eq, %arg0, %eq3A : i32
    %convert_element_type3A = arith.extui %eq3A_5 : i1 to i32
    %cond3A = arith.constant 0 : i32
    %cond3A_6 = arith.cmpi ne, %convert_element_type3A, %cond3A : i32
    scf.if %cond3A_6 {
      %mul3A_58 = arith.mulf %get3A_4, %get3A_4 : vector<1024x64xf32>
      %reduce_sum3A_59 = arith.constant dense<0.000000e+00> : vector<1024xf32>
      %reduce_sum3A_60 = vector.multi_reduction <add>, %mul3A_58, %reduce_sum3A_59 [1] : vector<1024x64xf32> to vector<1024xf32>
      %broadcast_in_dim3A_61 = vector.shape_cast %reduce_sum3A_60 : vector<1024xf32> to vector<1x1024xf32>
      %swap3A_62 = arith.constant 0 : index
      %swap3A_63 = arith.constant 0 : index
      %swap3A_64 = vector.load %arg6[%swap3A_62, %swap3A_63] : memref<1x1024xf32, #tpu.memory_space<vmem>>, vector<1x1024xf32>
      tpu.vector_store %arg6[%swap3A_62, %swap3A_63], %broadcast_in_dim3A_61 {strides = array<i32>} : memref<1x1024xf32, #tpu.memory_space<vmem>>, vector<1x1024xf32>,
      %mul3A_65 = arith.constant -2.000000e+00 : f32
      %mul3A_66 = vector.broadcast %mul3A_65 : f32 to vector<1024x64xf32>
      %mul3A_67 = arith.mulf %get3A_4, %mul3A_66 : vector<1024x64xf32>
      %swap3A_68 = arith.constant 0 : index
      %swap3A_69 = arith.constant 0 : index
      %swap3A_70 = vector.load %arg7[%swap3A_68, %swap3A_69] : memref<1024x64xf32, #tpu.memory_space<vmem>>, vector<1024x64xf32>
      tpu.vector_store %arg7[%swap3A_68, %swap3A_69], %mul3A_67 {strides = array<i32>} : memref<1024x64xf32, #tpu.memory_space<vmem>>, vector<1024x64xf32>,
      %iota3A = tpu.iota {dimensions = array<i32: 1>} : vector<1x1024xi32>
      %convert_element_type3A_71 = arith.sitofp %iota3A : vector<1x1024xi32> to vector<1x1024xf32>
      %swap3A_72 = arith.constant 0 : index
      %swap3A_73 = arith.constant 0 : index
      %swap3A_74 = vector.load %arg8[%swap3A_72, %swap3A_73] : memref<1x1024xf32, #tpu.memory_space<vmem>>, vector<1x1024xf32>
      tpu.vector_store %arg8[%swap3A_72, %swap3A_73], %convert_element_type3A_71 {strides = array<i32>} : memref<1x1024xf32, #tpu.memory_space<vmem>>, vector<1x1024xf32>,
      %concatenate3A = tpu.concatenate %get3A_4, %get3A_4 in 1 : vector<1024x64xf32>, vector<1024x64xf32> -> vector<1024x128xf32>
      %swap3A_75 = arith.constant 0 : index
      %swap3A_76 = arith.constant 0 : index
      %swap3A_77 = vector.load %arg5[%swap3A_75, %swap3A_76] : memref<1024x128xf32, #tpu.memory_space<vmem>>, vector<1024x128xf32>
      tpu.vector_store %arg5[%swap3A_75, %swap3A_76], %concatenate3A {strides = array<i32>} : memref<1024x128xf32, #tpu.memory_space<vmem>>, vector<1024x128xf32>,
    } else {
    }
    %mul3A = arith.mulf %get3A_1, %get3A_1 : vector<3072x64xf32>
    %reduce_sum3A = arith.constant dense<0.000000e+00> : vector<3072xf32>
    %reduce_sum3A_7 = vector.multi_reduction <add>, %mul3A, %reduce_sum3A [1] : vector<3072x64xf32> to vector<3072xf32>
    %broadcast_in_dim3A = vector.shape_cast %reduce_sum3A_7 : vector<3072xf32> to vector<3072x1xf32>
    %get3A_8 = arith.constant 0 : index
    %get3A_9 = arith.constant 0 : index
    %get3A_10 = vector.load %arg7[%get3A_8, %get3A_9] : memref<1024x64xf32, #tpu.memory_space<vmem>>, vector<1024x64xf32>
    %dot_general3A = arith.constant dense<0.000000e+00> : vector<3072x1024xf32>
    %dot_general3A_11 = tpu.matmul %get3A_1, %get3A_10, %dot_general3A {dimension_numbers = #tpu.dot_dimension_numbers<[1], [1], [0], [0], [0, 0, 1, 0], [], []>, transpose_lhs_hint = false} : vector<3072x64xf32>, vector<1024x64xf32>, vector<3072x1024xf32> -> vector<3072x1024xf32>
    %get3A_12 = arith.constant 0 : index
    %get3A_13 = arith.constant 0 : index
    %get3A_14 = vector.load %arg6[%get3A_12, %get3A_13] : memref<1x1024xf32, #tpu.memory_space<vmem>>, vector<1x1024xf32>
    %add3A = vector.broadcast %broadcast_in_dim3A : vector<3072x1xf32> to vector<3072x1024xf32>
    %add3A_15 = vector.broadcast %get3A_14 : vector<1x1024xf32> to vector<3072x1024xf32>
    %add3A_16 = arith.addf %add3A, %add3A_15 : vector<3072x1024xf32>
    %add3A_17 = arith.addf %add3A_16, %dot_general3A_11 : vector<3072x1024xf32>
    %reduce_min3A = arith.constant dense<0x7F800000> : vector<3072xf32>
    %reduce_min3A_18 = vector.multi_reduction <minimumf>, %add3A_17, %reduce_min3A [1] : vector<3072x1024xf32> to vector<3072xf32>
    %broadcast_in_dim3A_19 = vector.shape_cast %reduce_min3A_18 : vector<3072xf32> to vector<3072x1xf32>
    %eq3A_20 = vector.broadcast %broadcast_in_dim3A_19 : vector<3072x1xf32> to vector<3072x1024xf32>
    %eq3A_21 = arith.cmpf oeq, %add3A_17, %eq3A_20 : vector<3072x1024xf32>
    %get3A_22 = arith.constant 0 : index
    %get3A_23 = arith.constant 0 : index
    %get3A_24 = vector.load %arg8[%get3A_22, %get3A_23] : memref<1x1024xf32, #tpu.memory_space<vmem>>, vector<1x1024xf32>
    %jit3A = arith.constant 1.024000e+03 : f32
    %broadcast_in_dim3A_25 = vector.shape_cast %get3A_24 : vector<1x1024xf32> to vector<1x1024xf32>
    %broadcast_in_dim3A_26 = vector.broadcast %broadcast_in_dim3A_25 : vector<1x1024xf32> to vector<3072x1024xf32>
    %broadcast_in_dim3A_27 = vector.broadcast %jit3A : f32 to vector<3072x1024xf32>
    %select_n3A = arith.select %eq3A_21, %broadcast_in_dim3A_26, %broadcast_in_dim3A_27 : vector<3072x1024xi1>, vector<3072x1024xf32>
    %reduce_min3A_28 = arith.constant dense<0x7F800000> : vector<3072xf32>
    %reduce_min3A_29 = vector.multi_reduction <minimumf>, %select_n3A, %reduce_min3A_28 [1] : vector<3072x1024xf32> to vector<3072xf32>
    %broadcast_in_dim3A_30 = vector.shape_cast %reduce_min3A_29 : vector<3072xf32> to vector<3072x1xf32>
    %convert_element_type3A_31 = arith.fptosi %broadcast_in_dim3A_30 : vector<3072x1xf32> to vector<3072x1xi32>
    %swap3A = arith.constant 0 : index
    %swap3A_32 = arith.constant 0 : index
    %swap3A_33 = vector.load %arg3[%swap3A, %swap3A_32] : memref<3072x1xi32, #tpu.memory_space<vmem>>, vector<3072x1xi32>
    tpu.vector_store %arg3[%swap3A, %swap3A_32], %convert_element_type3A_31 {strides = array<i32>} : memref<3072x1xi32, #tpu.memory_space<vmem>>, vector<3072x1xi32>,
    %reduce_sum3A_34 = vector.shape_cast %broadcast_in_dim3A_19 : vector<3072x1xf32> to vector<1x3072x1xf32>
    %reduce_sum3A_35 = arith.constant dense<0.000000e+00> : vector<1xf32>
    %reduce_sum3A_36 = vector.multi_reduction <add>, %reduce_sum3A_34, %reduce_sum3A_35 [1, 2] : vector<1x3072x1xf32> to vector<1xf32>
    %reduce_sum3A_37 = vector.shape_cast %reduce_sum3A_36 : vector<1xf32> to vector<1x1x1xf32>
    %reduce_sum3A_38 = vector.extract %reduce_sum3A_37[0, 0, 0] : f32 from vector<1x1x1xf32>
    %broadcast_in_dim3A_39 = vector.broadcast %reduce_sum3A_38 : f32 to vector<1x1xf32>
    %eq3A_40 = arith.constant 0 : i32
    %eq3A_41 = arith.cmpi eq, %arg0, %eq3A_40 : i32
    %get3A_42 = arith.constant 0 : index
    %get3A_43 = arith.constant 0 : index
    %get3A_44 = vector.load %arg4[%get3A_42, %get3A_43] : memref<1x1xf32, #tpu.memory_space<vmem>>, vector<1x1xf32>
    %jit3A_45 = arith.constant 0.000000e+00 : f32
    %broadcast_in_dim3A_46 = vector.broadcast %jit3A_45 : f32 to vector<1x1xf32>
    %select_n3A_47 = arith.select %eq3A_41, %broadcast_in_dim3A_46, %get3A_44 : vector<1x1xf32>
    %add3A_48 = arith.addf %select_n3A_47, %broadcast_in_dim3A_39 : vector<1x1xf32>
    %eq3A_49 = arith.constant 2 : i32
    %eq3A_50 = arith.cmpi eq, %arg0, %eq3A_49 : i32
    %mul3A_51 = arith.constant 2.11927636E-6 : f32
    %mul3A_52 = vector.broadcast %mul3A_51 : f32 to vector<1x1xf32>
    %mul3A_53 = arith.mulf %add3A_48, %mul3A_52 : vector<1x1xf32>
    %select_n3A_54 = arith.select %eq3A_50, %mul3A_53, %add3A_48 : vector<1x1xf32>
    %swap3A_55 = arith.constant 0 : index
    %swap3A_56 = arith.constant 0 : index
    %swap3A_57 = vector.load %arg4[%swap3A_55, %swap3A_56] : memref<1x1xf32, #tpu.memory_space<vmem>>, vector<1x1xf32>
    tpu.vector_store %arg4[%swap3A_55, %swap3A_56], %select_n3A_54 {strides = array<i32>} : memref<1x1xf32, #tpu.memory_space<vmem>>, vector<1x1xf32>,
    return
  }
  func.func @transform_0(%arg0: i32) -> (i32, i32) {
    %c0_i32 = arith.constant 0 : i32
    %c0_i32_0 = arith.constant 0 : i32
    return %arg0, %c0_i32 : i32, i32
  }
  func.func @transform_1(%arg0: i32) -> (i32, i32) {
    %c0_i32 = arith.constant 0 : i32
    %c0_i32_0 = arith.constant 0 : i32
    %c0_i32_1 = arith.constant 0 : i32
    return %c0_i32, %c0_i32_0 : i32, i32
  }
  func.func @transform_2(%arg0: i32) -> (i32, i32) {
    %c0_i32 = arith.constant 0 : i32
    %c0_i32_0 = arith.constant 0 : i32
    return %arg0, %c0_i32 : i32, i32
  }
  func.func @transform_3(%arg0: i32) -> (i32, i32) {
    %c0_i32 = arith.constant 0 : i32
    %c0_i32_0 = arith.constant 0 : i32
    %c0_i32_1 = arith.constant 0 : i32
    return %c0_i32, %c0_i32_0 : i32, i32
  }
  func.func @transform_4(%arg0: i32) -> (i32, i32) {
    %c0_i32 = arith.constant 0 : i32
    %c0_i32_0 = arith.constant 0 : i32
    %c0_i32_1 = arith.constant 0 : i32
    return %c0_i32, %c0_i32_0 : i32, i32
  }
}

</mosaic_0001>

<sc_bundles>
// kernel: kernel.4.cloned.1.call-start
scs
__scs_entry_jumppad:
0x0: {  	(pc) =	sbr.rel $0x88, $3  }
0x1: {  	(tag) =	ssettag $0x0;
	lr =	simm.s32 $0x1  }
0x2: {  	[smem:$0x3F9F] =	sst lr;
	_ =	strace $0xD0000000  }
0x3: {  	_ = 	snop  }
0x4: {  	_ = 	snop  }
0x5: {  	_ = 	snop  }
0x6: {  	_ = 	snop  }
0x7: {  	_ = 	snop  }
__scs_overlays_trampoline_lowered:
0x8: {  	[smem:$0x3FAE] =	sst s0  }
0x9: {  	[smem:$0x3FAF] =	sst s1  }
0xa: {  	[smem:$0x3FB0] =	sst s2  }
0xb: {  	[smem:$0x3FB1] =	sst s3  }
0xc: {  	[smem:$0x3FB2] =	sst s4  }
0xd: {  	[smem:$0x3FB3] =	sst s5  }
0xe: {  	[smem:$0x3FB4] =	sst s6  }
0xf: {  	[smem:$0x3FB5] =	sst s7  }
0x10: {  	[smem:$0x3FB6] =	sst s8  }
0x11: {  	[smem:$0x3FB7] =	sst s9;
	s0 =	simm.s32 @!p0 $0x0  }
0x12: {  	s1 =	sld [smem:$0x3F9D];
	s0 =	simm.s32 @p0 $0x1  }
0x13: {  	[smem:$0x3FB8] =	sst s0;
	s0 =	simm.s32 @!p1 $0x0  }
0x14: {  	s2 =	sld [smem:$0x3F9C];
	s0 =	simm.s32 @p1 $0x1  }
0x15: {  	[smem:$0x3FB9] =	sst s0;
	s0 =	simm.s32 @!p2 $0x0  }
0x16: {  	s3 =	sld [smem:$0x3FDB];
	s0 =	simm.s32 @p2 $0x1  }
0x17: {  	s4 =	simm.s32 $0x1BF5;
	[smem:$0x3FBB] =	sst s0  }
0x18: {  	s0 =	sld [smem:$0x3F9E];
	_ =	swait.ge [sflag:s4], $0x0  }
0x19: {  	s7 =	sld [smem:$0x3F9F]  }
0x1a: {  	s8 =	sadd.s32 $0xFFFFE003, lr  }
0x1b: {  	s9 =	sadd.s32 $0xFFFFFEF7, lr;
	s5 =	simm.s32 $0xFFFFFFFF;
	p2 =	slt.u32 s8, $0xFFFFF086  }
0x1c: {  	p1 =	slt.u32 s9, $0xF7A;
	s5 =	simm.s32 @!p2 $0x0  }
0x1d: {  	s5 =	simm.s32 @p1 $0x1;
	p0 =	seq.s32 s7, s2  }
0x1e: {  	s7 =	smul.u32 @!p0 $0xF7A, s2;
	p2 =	seq.s32 @!p0 s5, $0x0  }
0x1f: {  	s9 =	smul.u32 $0xF7A, s1;
	s8 =	simm.s32 @!p0 $0x1BF5;
	p2 =	por !p2, p0  }
0x20: {  	[sflag:s8] =	ssyncset.s32 @!p0 $0xFFFFF086;
	s6 =	sadd.s32 @!p0 s3, s7;
	s7 =	simm.s32 @!p0 $0x108  }
0x21: {  	s3 =	sadd.s32 s3, s9;
	s6 =	sadd.s32 @!p0 $0x88, s6;
	s7 =	simm.s32 @p2 $0x1082  }
0x22: {  	[simem:s7], [sflag:s8] =	dma.local @!p0 [hbm:s6], $0xF7A  }
0x23: {  	s9 =	sor.u32 $0xD0000000, s2;
	s6 =	simm.s32 $0x108;
	_ =	swait.ge @!p0 [sflag:s8], $0x0  }
0x24: {  	s3 =	sadd.s32 $0x88, s3;
	s6 =	simm.s32 @!p1 $0x1082;
	[sflag:s4] =	ssyncset.s32 $0xFFFFF086  }
0x25: {  	[simem:s6], [sflag:s4] =	dma.local [hbm:s3], $0xF7A  }
0x26: {  	[smem:$0x3F9F] =	sst s1;
	(tag) =	ssettag s2;
	_ =	strace s9  }
0x27: {  	s1 =	sld [smem:$0x3FAF]  }
0x28: {  	s2 =	sld [smem:$0x3FB0]  }
0x29: {  	s4 =	sld [smem:$0x3FB2]  }
0x2a: {  	p0 =	seq.s32 s5, $0x0;
	s5 =	sld [smem:$0x3FB3]  }
0x2b: {  	s6 =	sld [smem:$0x3FB4]  }
0x2c: {  	s7 =	sld [smem:$0x3FB5]  }
0x2d: {  	s3 =	simm.s32 $0x108;
	s8 =	sld [smem:$0x3FB6]  }
0x2e: {  	s3 =	simm.s32 @!p0 $0x1082;
	s9 =	sld [smem:$0x3FB7]  }
0x2f: {  	lr =	sadd.s32 s0, s3;
	s0 =	sld [smem:$0x3FAE]  }
0x30: {  	s3 =	sld [smem:$0x3FB1]  }
0x31: {  	[smem:$0x3FBA] =	sst s10  }
0x32: {  	s10 =	sld [smem:$0x3FB8];
	_ =	sdelay $0x3  }
0x33: {  	p0 =	seq.s32 s10, $0x1;
	s10 =	sld [smem:$0x3FBA];
	_ =	sdelay $0x3  }
0x34: {  	[smem:$0x3FBA] =	sst s10  }
0x35: {  	s10 =	sld [smem:$0x3FB9];
	_ =	sdelay $0x3  }
0x36: {  	p1 =	seq.s32 s10, $0x1;
	s10 =	sld [smem:$0x3FBA];
	_ =	sdelay $0x3  }
0x37: {  	[smem:$0x3FBA] =	sst s10  }
0x38: {  	s10 =	sld [smem:$0x3FBB]  }
0x39: {  	_ = 	snop;
	(pc) =	sbr.ind lr, $3  }
0x3a: {  	_ = 	snop  }
0x3b: {  	_ = 	snop  }
0x3c: {  	p2 =	seq.s32 s10, $0x1;
	s10 =	sld [smem:$0x3FBA]  }
0x3d: {  	_ =	shalt  }
0x3e: {  	_ =	shalt  }
0x3f: {  	_ =	shalt  }
0x40: {  	_ =	shalt  }
0x41: {  	_ =	shalt  }
0x42: {  	_ =	shalt  }
0x43: {  	_ =	shalt  }
0x44: {  	_ =	shalt  }
0x45: {  	_ =	shalt  }
0x46: {  	_ =	shalt  }
0x47: {  	_ =	shalt  }
0x48: {  	_ =	shalt  }
0x49: {  	_ =	shalt  }
0x4a: {  	_ =	shalt  }
0x4b: {  	_ =	shalt  }
0x4c: {  	_ =	shalt  }
0x4d: {  	_ =	shalt  }
0x4e: {  	_ =	shalt  }
0x4f: {  	_ =	shalt  }
0x50: {  	_ =	shalt  }
0x51: {  	_ =	shalt  }
0x52: {  	_ =	shalt  }
0x53: {  	_ =	shalt  }
0x54: {  	_ =	shalt  }
0x55: {  	_ =	shalt  }
0x56: {  	_ =	shalt  }
0x57: {  	_ =	shalt  }
0x58: {  	_ =	shalt  }
0x59: {  	_ =	shalt  }
0x5a: {  	_ =	shalt  }
0x5b: {  	_ =	shalt  }
0x5c: {  	_ =	shalt  }
0x5d: {  	_ =	shalt  }
0x5e: {  	_ =	shalt  }
0x5f: {  	_ =	shalt  }
0x60: {  	_ =	shalt  }
0x61: {  	_ =	shalt  }
0x62: {  	_ =	shalt  }
0x63: {  	_ =	shalt  }
0x64: {  	_ =	shalt  }
0x65: {  	_ =	shalt  }
0x66: {  	_ =	shalt  }
0x67: {  	_ =	shalt  }
0x68: {  	_ =	shalt  }
0x69: {  	_ =	shalt  }
0x6a: {  	_ =	shalt  }
0x6b: {  	_ =	shalt  }
0x6c: {  	_ =	shalt  }
0x6d: {  	_ =	shalt  }
0x6e: {  	_ =	shalt  }
0x6f: {  	_ =	shalt  }
0x70: {  	_ =	shalt  }
0x71: {  	_ =	shalt  }
0x72: {  	_ =	shalt  }
0x73: {  	_ =	shalt  }
0x74: {  	_ =	shalt  }
0x75: {  	_ =	shalt  }
0x76: {  	_ =	shalt  }
0x77: {  	_ =	shalt  }
0x78: {  	_ =	shalt  }
0x79: {  	_ =	shalt  }
0x7a: {  	_ =	shalt  }
0x7b: {  	_ =	shalt  }
0x7c: {  	_ =	shalt  }
0x7d: {  	_ =	shalt  }
0x7e: {  	_ =	shalt  }
0x7f: {  	_ =	shalt  }
0x80: {  	_ =	shalt  }
0x81: {  	_ =	shalt  }
0x82: {  	_ =	shalt  }
0x83: {  	_ =	shalt  }
0x84: {  	_ =	shalt  }
0x85: {  	_ =	shalt  }
0x86: {  	_ =	shalt  }
0x87: {  	_ =	shalt  }
.Lfunc_end0:
.L_simem_size_0:
called_computation_lowered:
.L_overlay_start_0:
0x88: {  	s2 =	sld [smem:$0x3FD9]  }
0x89: {  	s3 =	sld [smem:$0x3FFE];
	_ =	sdelay $0x1  }
0x8a: {  	s1 =	srdreg.scid  }
0x8b: {  	s0 =	sand.u32 $0x1, s1  }
0x8c: {  	s14 =	sshll.u32 s0, $0xA;
	s2 =	sadd.s32 s3, s2  }
0x8d: {  	s2 =	sadd.s32 s2, s14  }
0x8e: {  	[smem:$0x3FC6] =	sst s2  }
0x8f: {  	_ = 	snop  }
0x90: {  	s2 =	sld [smem:$0x3FD0];
	_ =	sdelay $0x2  }
0x91: {  	s15 =	simm.s32 $0xA;
	s4 =	simm.s32 $0x10  }
0x92: {  	[smem:s4], [sflag:s15] =	dma.local [hbm:s2], $0x1  }
0x93: {  	_ =	swait.eq [sflag:s15], $0x1  }
0x94: {  	[sflag:s15] =	ssyncset.done $0x0  }
0x95: {  	[sflag:s15] =	ssyncadd.s32 $0xFFFFFFFF  }
0x96: {  	s16 =	sld [smem:$0x10];
	(tm) =	ssettm $0x1  }
0x97: {  	s17 =	sld [smem:$0x3FFB];
	_ =	sdelay $0x3  }
0x98: {  	_ =	strace s17  }
0x99: {  	s3 =	sld [smem:$0x3FFC];
	_ =	sdelay $0x3  }
0x9a: {  	_ =	strace s3  }
0x9b: {  	s3 =	sld [smem:$0x3FFD];
	_ =	sdelay $0x3  }
0x9c: {  	_ =	strace s3  }
0x9d: {  	_ =	strace $0x8FFFFFFF  }
0x9e: {  	s18 =	sld [smem:$0x3FDB];
	_ =	sdelay $0x1  }
0x9f: {  	s19 =	simm.s32 $_scs_section_size  }
0xa0: {  	s5 =	simm.s32 $_size__tile_overlayer_lowered;
	s6 =	simm.s32 $_tile_overlayer_lowered  }
0xa1: {  	s22 =	simm.s32 $0x1BFF;
	s21 =	sshll.u32 s6, $0x1;
	s3 =	sadd.s32 s19, s18  }
0xa2: {  	s7 =	simm.s32 $0x0;
	s20 =	sshll.u32 s5, $0x1;
	s5 =	sadd.s32 s21, s3  }
0xa3: {  	[timem:s7], [sflag:s22] =	dma.local [hbm:s5], s20  }
0xa4: {  	_ =	swait.ge [sflag:s22], s20  }
0xa5: {  	s4 =	ssub.s32 $0x0, s20;
	[sflag:s22] =	ssyncset.done $0x0  }
0xa6: {  	[sflag:s22] =	ssyncadd.s32 s4;
	_ =	sdelay $0x1  }
0xa7: {  	s23 =	simm.s32 $0x1B8B  }
0xa8: {  	_ =	swait.ge [sflag:s23], $0x1  }
0xa9: {  	[sflag:s23] =	ssyncset.done $0x0  }
0xaa: {  	s25 =	simm.s32 $0x1B8E;
	s24 =	sld [smem:$0x3FFE];
	[sflag:s23] =	ssyncadd.s32 $0xFFFFFFFF  }
0xab: {  	s26 =	simm.s32 $execute0_lowered;
	[smem:$0x3FD2] =	sst s25  }
0xac: {  	s5 =	sshll.u32 s26, $0x1;
	_ =	strace $0x80000046;
	[dreg:$0x1] =	wrdreg $0xFFFFFFFF  }
0xad: {  	s28 =	simm.s32 $_size_execute0_lowered;
	s3 =	sadd.s32 s3, s5;
	[dreg:$0x0] =	wrdreg $0x0  }
0xae: {  	s5 =	sshll.u32 s28, $0x1;
	[dreg:$0x2] =	wrdreg s3  }
0xaf: {  	[dreg:$0x3] =	wrdreg s5  }
0xb0: {  	[dreg:$0x4] =	wrdreg $0xC0  }
0xb1: {  	_ =	task [dreg:s7], $0x5FFFF  }
0xb2: {  	[dreg:$0x1] =	wrdreg $0xFFFFFFFF  }
0xb3: {  	[dreg:$0x0] =	wrdreg $0x60  }
0xb4: {  	[dreg:$0x2] =	wrdreg s24  }
0xb5: {  	[dreg:$0x3] =	wrdreg s16  }
0xb6: {  	[dreg:$0x4] =	wrdreg $0x9  }
0xb7: {  	_ =	task.clear_ibuf [dreg:s7], $0x5FFFF;
	_ =	strace $0x90000046  }
0xb8: {  	s29 =	simm.s32 $0x9;
	_ =	strace $0x80000048  }
0xb9: {  	_ =	swait.ge [sflag:s29], $0x1  }
0xba: {  	[sflag:s29] =	ssyncadd.s32 $0xFFFFFFFF  }
0xbb: {  	_ =	strace $0x90000048  }
0xbc: {  	_ =	sfence  }
0xbd: {  	s30 =	sld [smem:$0x0];
	_ =	sdelay $0x2  }
0xbe: {  	s31 =	sshll.u32 s1, $0xD;
	s1 =	sshrl.u32 s1, $0x2  }
0xbf: {  	s3 =	sand.u32 $0x4000, s31;
	s1 =	sadd.s32 s1, s30  }
0xc0: {  	s0 =	sor.u32 s3, s0;
	s1 =	sshll.u32 s1, $0x11  }
0xc1: {  	s0 =	sor.u32 s1, s0  }
0xc2: {  	s0 =	sadd.s32 $0x8F2B, s0  }
0xc3: {  	[sflag:s0] =	ssyncadd.remote.s32 $0x1  }
0xc4: {  	_ =	sfence.sel $0xFFFF  }
0xc5: {  	[dreg:$0x0] =	wrdreg $0xFFFFFFFF;
	(pc) =	sbr.abs _section_cstart, $3  }
0xc6: {  	[dreg:$0x1] =	wrdreg $0xFFFFFFFF  }
0xc7: {  	_ =	task.clear_ibuf [dreg:s7], $0x2FFFF;
	_ =	strace $0x9FFFFFFF  }
0xc8: {  	(tm) =	ssettm $0x7FFFFFFF  }
0xc9: {  	_ =	shalt  }
tec
execute0_lowered:
.L_overlay_start_1:
0x0: {  	(tag) =	ssettag $0x1  }
0x1: {  	s1 =	srdreg.scid;
	s4 =	rddreg [dreg:$0x0]  }
0x2: {  	s0 =	stileid.u32;
	s2 =	rddreg [dreg:$0x1];
	s3 =	simm.s32 $0x0  }
0x3: {  	s9 =	simm.s32 $0x180;
	s5 =	sand.u32 $0x1, s1;
	s30 =	sshll.u32 s0, $0x1  }
0x4: {  	s10 =	simm.s32 $0x120;
	s11 =	simm.s32 $0x9180;
	s6 =	sor.u32 s5, s30  }
0x5: {  	s12 =	simm.s32 $0x1;
	s13 =	simm.s32 $0x12180;
	s7 =	smul.u32 $0x24, s6  }
0x6: {  	s14 =	simm.s32 $0x0;
	[smem:$0x7FF] =	sst s3;
	s6 =	smul.u32 $0x1200, s6  }
0x7: {  	s1 =	rddreg [dreg:$0x2];
	_ =	strace $0x80000047;
	s5 =	ssub.s32 $0x2, s5  }
0x8: {  	s31 =	sshrl.u32 s5, $0x1;
	s7 =	sadd.s32 s7, s4;
	s6 =	sadd.s32 s6, s4  }
0x9: {  	s8 =	ssub.s32 s5, s31;
	s4 =	sadd.s32 $0x24600, s7;
	s5 =	sadd.s32 $0x600, s6  }
0xa: {  	s6 =	sadd.s32 $0x24C00, s6;
	s7 =	smax.u32 s8, $0x1;
	s8 =	simm.s32 $0x2  }
.LBB2_1:
0xb: {  	[tilespmem:s3], [sflag:$0x2] =	stream.linear.gather [hbm4b:s4+s3], $0x120, $0x38;
	[tilespmem:$0x1B180] =	vst v63  }
0xc: {  	_ =	swait.ge [sflag:s8], $0x120  }
0xd: {  	[sflag:s8] =	ssyncset.done $0x0  }
0xe: {  	[sflag:s8] =	ssyncadd.s32 $0xFFFFFEE0  }
0xf: {  	[tilespmem:s9], [sflag:$0x2] =	stream.linear.gather [hbm4b:s5+s3], $0x9000, $0x38;
	[tilespmem:$0x1B180] =	vst v63  }
0x10: {  	_ =	swait.ge [sflag:s8], $0x9000  }
0x11: {  	[sflag:s8] =	ssyncset.done $0x0  }
0x12: {  	[sflag:s8] =	ssyncadd.s32 $0xFFFF7000  }
0x13: {  	[tilespmem:s11], [sflag:$0x1] =	stream.indirect.gather [hbm4b:s2+s10], $0x80, s3, s10, $0xb8;
	[tilespmem:$0x1B180] =	vst v63  }
0x14: {  	_ =	swait.ge [sflag:s12], $0x9000  }
0x15: {  	[sflag:s12] =	ssyncset.done $0x0  }
0x16: {  	s16 =	simm.s32 $0x0;
	[sflag:s12] =	ssyncadd.s32 $0xFFFF7000  }
0x17: {  	v0 =	vld [tilespmem:s16+$0x1B0]  }
0x18: {  	v1 =	vld [tilespmem:s16+$0x91B0]  }
0x19: {  	v2 =	vld [tilespmem:s16+$0x180]  }
0x1a: {  	v3 =	vld [tilespmem:s16+$0x9180]  }
0x1b: {  	v4 =	vld [tilespmem:s16+$0x190]  }
0x1c: {  	v5 =	vld [tilespmem:s16+$0x9190]  }
0x1d: {  	v6 =	vld [tilespmem:s16+$0x1A0];
	v1 =	vsub.f32 v1, v0  }
0x1e: {  	s15 =	simm.s32 $0x80;
	v7 =	vld [tilespmem:s16+$0x91A0]  }
0x1f: {  	v10 =	vld [tilespmem:s15+$0x1B0];
	v0 =	vmul.f32 $9.499999880e-01, v0;
	v3 =	vsub.f32 v3, v2;
	v1 =	vmul.f32 $5.000000070e-02, v1  }
0x20: {  	v8 =	vld [tilespmem:s15+$0x91B0]  }
0x21: {  	v9 =	vld [tilespmem:s15+$0x180];
	v2 =	vmul.f32 $9.499999880e-01, v2;
	v3 =	vmul.f32 $5.000000070e-02, v3;
	v0 =	vadd.f32 v1, v0  }
0x22: {  	v11 =	vld [tilespmem:s15+$0x9180];
	v5 =	vsub.f32 v5, v4  }
0x23: {  	v1 =	vld [tilespmem:s15+$0x190];
	[tilespmem:s16+$0x121B0] =	vst v0;
	v0 =	vadd.f32 v3, v2  }
0x24: {  	v4 =	vmul.f32 $9.499999880e-01, v4;
	v13 =	vsub.f32 v7, v6;
	v12 =	vmul.f32 $5.000000070e-02, v5;
	v3 =	vld [tilespmem:s15+$0x9190]  }
0x25: {  	s18 =	simm.s32 $0x600;
	v14 =	vsub.f32 v8, v10;
	v10 =	vmul.f32 $9.499999880e-01, v10;
	v2 =	vld [tilespmem:s15+$0x1A0];
	[tilespmem:s16+$0x12180] =	vst v0  }
0x26: {  	s17 =	simm.s32 $0x100;
	v5 =	vmul.f32 $9.499999880e-01, v6;
	v8 =	vmul.f32 $5.000000070e-02, v13;
	v7 =	vadd.f32 v12, v4;
	v4 =	vld [tilespmem:s15+$0x91A0]  }
0x27: {  	v6 =	vmul.f32 $9.499999880e-01, v9;
	v9 =	vsub.f32 v11, v9;
	v11 =	vmul.f32 $5.000000070e-02, v14;
	v0 =	vld [tilespmem:s17+$0x1B0]  }
.LBB2_2:
0x28: {  	p0 =	sne.s32 s18, $0x23E00;
	v12 =	vld [tilespmem:s17+$0x91B0];
	v13 =	vmul.f32 $9.499999880e-01, v1;
	[tilespmem:s16+$0x12190] =	vst v7;
	v7 =	vadd.f32 v8, v5  }
0x29: {  	v14 =	vld [tilespmem:s17+$0x180];
	v8 =	vmul.f32 $5.000000070e-02, v9;
	v3 =	vsub.f32 v3, v1;
	v9 =	vadd.f32 v11, v10  }
0x2a: {  	v10 =	vld [tilespmem:s17+$0x9180];
	v5 =	vmul.f32 $9.499999880e-01, v2;
	[tilespmem:s16+$0x121A0] =	vst v7;
	s16 =	smov.u32 s15;
	s15 =	smov.u32 s17  }
.Ltmp0:
0x2b: {  	v1 =	vld [tilespmem:s15+$0x190];
	v6 =	vadd.f32 v8, v6;
	v7 =	vmul.f32 $5.000000070e-02, v3;
	v4 =	vsub.f32 v4, v2;
	[tilespmem:s16+$0x121B0] =	vst v9;
	(pc) =	sbr.rel @p0 .LBB2_2-.Ltmp0, $4  }
0x2c: {  	v3 =	vld [tilespmem:s15+$0x9190]  }
0x2d: {  	v2 =	vld [tilespmem:s15+$0x1A0];
	v11 =	vsub.f32 v12, v0;
	[tilespmem:s16+$0x12180] =	vst v6;
	v7 =	vadd.f32 v7, v13;
	v8 =	vmul.f32 $5.000000070e-02, v4  }
0x2e: {  	s17 =	sshra.s32 s18, $0x2;
	v6 =	vmul.f32 $9.499999880e-01, v14;
	v4 =	vld [tilespmem:s15+$0x91A0]  }
0x2f: {  	s18 =	sadd.s32 $0x200, s18;
	v9 =	vsub.f32 v10, v14;
	v10 =	vmul.f32 $9.499999880e-01, v0;
	v0 =	vld [tilespmem:s17+$0x1B0];
	v11 =	vmul.f32 $5.000000070e-02, v11  }
0x30: {  	v12 =	vld [tilespmem:s17+$0x91B0];
	[tilespmem:s16+$0x12190] =	vst v7;
	v5 =	vadd.f32 v8, v5  }
0x31: {  	v7 =	vld [tilespmem:s17+$0x180];
	v10 =	vadd.f32 v11, v10;
	v46 =	vmul.f32 $5.000000070e-02, v9  }
0x32: {  	v45 =	vld [tilespmem:s17+$0x9180];
	[tilespmem:s16+$0x121A0] =	vst v5  }
0x33: {  	v47 =	vld [tilespmem:s17+$0x190];
	[tilespmem:s15+$0x121B0] =	vst v10;
	v5 =	vadd.f32 v46, v6  }
0x34: {  	v48 =	vld [tilespmem:s17+$0x9190]  }
0x35: {  	v10 =	vld [tilespmem:s17+$0x1A0];
	[tilespmem:s15+$0x12180] =	vst v5  }
0x36: {  	v3 =	vsub.f32 v3, v1;
	v5 =	vld [tilespmem:s17+$0x91A0]  }
0x37: {  	v49 =	vmul.f32 $9.499999880e-01, v1;
	v50 =	vmul.f32 $9.499999880e-01, v2;
	v4 =	vsub.f32 v4, v2  }
0x38: {  	v3 =	vmul.f32 $5.000000070e-02, v3;
	v54 =	vmul.f32 $9.499999880e-01, v0;
	v51 =	vsub.f32 v12, v0  }
0x39: {  	v52 =	vmul.f32 $5.000000070e-02, v4;
	v53 =	vmul.f32 $9.499999880e-01, v7;
	v7 =	vsub.f32 v45, v7  }
0x3a: {  	v1 =	vadd.f32 v3, v49;
	v55 =	vmul.f32 $5.000000070e-02, v51;
	v6 =	vsub.f32 v48, v47  }
0x3b: {  	v2 =	vadd.f32 v52, v50;
	v56 =	vmul.f32 $5.000000070e-02, v7;
	v5 =	vsub.f32 v5, v10  }
0x3c: {  	[tilespmem:s15+$0x12190] =	vst v1;
	v57 =	vmul.f32 $9.499999880e-01, v47;
	v0 =	vadd.f32 v55, v54;
	v58 =	vmul.f32 $5.000000070e-02, v6  }
0x3d: {  	v59 =	vmul.f32 $9.499999880e-01, v10;
	[tilespmem:s15+$0x121A0] =	vst v2;
	v60 =	vadd.f32 v56, v53;
	v61 =	vmul.f32 $5.000000070e-02, v5  }
0x3e: {  	[tilespmem:s17+$0x121B0] =	vst v0;
	v62 =	vadd.f32 v58, v57  }
0x3f: {  	s14 =	sadd.s32 $0x1, s14;
	[tilespmem:s17+$0x12180] =	vst v60;
	v63 =	vadd.f32 v61, v59  }
0x40: {  	p0 =	sne.s32 s14, s7;
	[tilespmem:s17+$0x12190] =	vst v62  }
.Ltmp1:
0x41: {  	[tilespmem:s17+$0x121A0] =	vst v63;
	(pc) =	sbr.rel @p0 .LBB2_1-.Ltmp1, $4  }
0x42: {  	[hbm4b:s6+s3] =	stream.linear.scatter [tilespmem:s13], [sflag:$0x2], $0x9000, $0x38;
	[tilespmem:$0x1B180] =	vst v63  }
0x43: {  	_ =	swait.ge [sflag:s8], $0x9000  }
0x44: {  	[sflag:s8] =	ssyncset.done $0x0  }
0x45: {  	[sflag:s8] =	ssyncadd.s32 $0xFFFF7000  }
0x46: {  	_ =	sfence.sel $0x180000  }
0x47: {  	[bflag:$0x0] =	sbarrier.arrive $0xFFFF  }
0x48: {  	p0 =	sne.s32 s0, $0x0;
	_ =	strace $0x90000047  }
0x49: {  	s0 =	sadd.s32 @!p0 $0x100000, s1;
	[bflag:$0x2] =	sbarrier.arrive $0xFFFF  }
0x4a: {  	[sflag:s0] =	ssyncadd.tile.s32 @!p0 $0x1;
	_ =	shalt  }
.Lfunc_end2:
_tile_overlayer_lowered:
.L_overlay_start_2:
0x4b: {  	(tag) =	ssettag $0x2  }
0x4c: {  	s0 =	rddreg [dreg:$0x0];
	s2 =	stileid.u32  }
0x4d: {  	s1 =	rddreg [dreg:$0x1];
	p0 =	sne.s32 s2, $0x0  }
0x4e: {  	s3 =	rddreg [dreg:$0x2];
	[bflag:$0x3] =	sbarrier.arrive $0xFFFF;
	s2 =	simm.s32 @!p0 $0x1C02  }
0x4f: {  	[timem:s3], [sflag:s2] =	dma.local @!p0 [hbm:s0], s1  }
0x50: {  	s0 =	simm.s32 @!p0 $0x2  }
0x51: {  	_ =	swait.ge @!p0 [sflag:s0], s1  }
0x52: {  	s1 =	ssub.s32 @!p0 $0x0, s1;
	[sflag:s0] =	ssyncset.done @!p0 $0x0  }
0x53: {  	[sflag:s0] =	ssyncadd.s32 @!p0 s1  }
0x54: {  	[bflag:$0x3] =	sbarrier.arrive $0xFFFF  }
0x55: {  	_ =	shalt  }

</sc_bundles>
